<compile_context>
chip_gen: v7x
topology: tpu7x:2x2x1
jax: 0.10.2.dev20260603
libtpu: 0.0.44.dev20260713+nightly
codegen_flags: <defaults>
</compile_context>

<pallas_src>
import functools

import jax
import jax.numpy as jnp
from jax import lax
from jax.experimental import pallas as pl
from jax.experimental.pallas import tpu as pltpu
from jax.experimental.pallas import tpu_sc as plsc

NUM_B = 256
NBINS = NUM_B * NUM_B
N_ELEM = 1024 * 1024
NC, NS, L = 2, 16, 16
NW = NC * NS
PER_W = N_ELEM // NW
WORDS_W = PER_W // 2
CHUNK = WORDS_W // 2
GRID = 4
MI_BLK = 32


def _minmax_tc(x, y):
    def body(x_ref, y_ref, o_ref):
        o_ref[0] = jnp.min(x_ref[...])
        o_ref[1] = jnp.max(x_ref[...])
        o_ref[2] = jnp.min(y_ref[...])
        o_ref[3] = jnp.max(y_ref[...])

    return pl.pallas_call(
        body,
        out_shape=jax.ShapeDtypeStruct((4,), jnp.float32),
        out_specs=pl.BlockSpec(memory_space=pltpu.SMEM),
    )(x, y)


def _bin_tc(x, y, mm):
    def body(mm_ref, x_ref, y_ref, o_ref):
        xn = (x_ref[...] - mm_ref[0]) / (mm_ref[1] - mm_ref[0] + 1e-08)
        yn = (y_ref[...] - mm_ref[2]) / (mm_ref[3] - mm_ref[2] + 1e-08)
        xb = jnp.clip(jnp.floor(xn * NUM_B).astype(jnp.int32), 0, NUM_B - 1)
        yb = jnp.clip(jnp.floor(yn * NUM_B).astype(jnp.int32), 0, NUM_B - 1)
        idx = xb * NUM_B + yb
        half = idx.shape[1] // 2
        o_ref[...] = idx[:, :half] | (idx[:, half:] << 16)

    return pl.pallas_call(
        body,
        grid=(GRID,),
        in_specs=[
            pl.BlockSpec(memory_space=pltpu.SMEM),
            pl.BlockSpec((1024, 1024 // GRID), lambda i: (0, i)),
            pl.BlockSpec((1024, 1024 // GRID), lambda i: (0, i)),
        ],
        out_shape=jax.ShapeDtypeStruct((4096, 128), jnp.int32),
        out_specs=pl.BlockSpec((4096 // GRID, 128), lambda i: (i, 0)),
    )(mm, x, y)


def _hist_sc(idx_flat):
    mesh = plsc.VectorSubcoreMesh(
        core_axis_name="c", subcore_axis_name="s", num_cores=NC, num_subcores=NS
    )
    cp = pltpu.CompilerParams(needs_layout_passes=False)

    @functools.partial(
        pl.kernel,
        out_type=jax.ShapeDtypeStruct((NW, NBINS // 128, 128), jnp.float32),
        mesh=mesh,
        compiler_params=cp,
        scratch_types=[
            pltpu.VMEM((NBINS // 128, 128), jnp.float32),
            pltpu.VMEM((WORDS_W,), jnp.int32),
            pltpu.SemaphoreType.DMA,
            pltpu.SemaphoreType.DMA,
        ],
    )
    def k(idx_hbm, out_hbm, hist, ibuf, sem0, sem1):
        c = lax.axis_index("c")
        s = lax.axis_index("s")
        wid = c * NS + s
        base = wid * WORDS_W
        sems = (sem0, sem1)

        zeros16 = jnp.zeros((L,), jnp.float32)
        ones16 = jnp.ones((L,), jnp.float32)

        def xfer(b):
            return pltpu.make_async_copy(
                idx_hbm.at[pl.ds(base + b * CHUNK, CHUNK)],
                ibuf.at[pl.ds(b * CHUNK, CHUNK)],
                sems[b],
            )

        xfer(0).start()
        xfer(1).start()

        @pl.loop(0, NBINS // 128)
        def _(r):
            for u in range(128 // L):
                hist[r, pl.ds(u * L, L)] = zeros16

        xfer(0).wait()
        xfer(1).wait()

        @pl.loop(0, WORDS_W, step=4 * L)
        def _(j):
            for u in range(4):
                v = ibuf[pl.ds(j + u * L, L)]
                for half in (
                    jnp.bitwise_and(v, 65535),
                    jax.lax.shift_right_logical(v, 16),
                ):
                    r = jax.lax.shift_right_logical(half, 7)
                    col = jnp.bitwise_and(half, 127)
                    plsc.addupdate_scatter(hist, [r, col], ones16)

        pltpu.sync_copy(hist, out_hbm.at[wid])

    return k(idx_flat)


def _mi_tc(h3):
    steps = NW // MI_BLK

    def body(h_ref, o_ref, acc):
        i = pl.program_id(0)
        part = jnp.sum(h_ref[...], axis=0)

        @pl.when(i == 0)
        def _():
            acc[...] = part

        @pl.when(i > 0)
        def _():
            acc[...] = acc[...] + part

        @pl.when(i == steps - 1)
        def _():
            h = acc[...].reshape(NUM_B, NUM_B)
            n = jnp.float32(N_ELEM)
            p_xy = h / n
            p_x = jnp.sum(p_xy, axis=1, keepdims=True)
            p_y = jnp.sum(p_xy, axis=0, keepdims=True)
            denom = p_x * p_y
            mask = (p_xy > 0) & (p_x > 0) & (p_y > 0)
            safe_ratio = jnp.where(mask, p_xy / jnp.where(mask, denom, 1.0), 1.0)
            terms = jnp.where(mask, p_xy * jnp.log(safe_ratio), 0.0)
            mi = jnp.sum(terms)
            h_x = -jnp.sum(p_x * jnp.log(p_x + 1e-08))
            h_y = -jnp.sum(p_y * jnp.log(p_y + 1e-08))
            mi = mi / (jnp.sqrt(h_x * h_y) + 1e-08)
            o_ref[0] = -mi

    out = pl.pallas_call(
        body,
        grid=(steps,),
        in_specs=[pl.BlockSpec((MI_BLK, 512, 128), lambda i: (i, 0, 0))],
        out_shape=jax.ShapeDtypeStruct((1,), jnp.float32),
        out_specs=pl.BlockSpec(memory_space=pltpu.SMEM),
        scratch_shapes=[pltpu.VMEM((512, 128), jnp.float32)],
    )(h3)
    return out[0]


def kernel(x, y):
    mm = _minmax_tc(x, y)
    idx = _bin_tc(x, y, mm)
    hist3 = _hist_sc(idx.reshape(-1))
    return _mi_tc(hist3)

# --- scband reference (transcript-rebuilt; emitter-appended) ---
"""Pipeline reference for scband-mutual-information-loss-4466765988329 (READ-ONLY COPY).

The authoritative reference and input builder live on the scoring server;
editing this copy changes nothing except your own understanding.
"""

import jax, jax.numpy as jnp
import numpy as np

NUM_BINS = 256
NORMALIZED = True

def setup_inputs(seed: int = 0) -> dict:
    key = jax.random.key(seed)
    k1, k2 = jax.random.split(key)
    x = jax.random.normal(k1, (1024, 1024), dtype=jnp.float32)
    y = jax.random.normal(k2, (1024, 1024), dtype=jnp.float32)
    return {"x": x, "y": y}

def reference(x, y):
    num_bins = NUM_BINS
    xn = (x - jnp.min(x)) / (jnp.max(x) - jnp.min(x) + 1e-08)
    yn = (y - jnp.min(y)) / (jnp.max(y) - jnp.min(y) + 1e-08)
    x_bin = jnp.floor(xn * num_bins).astype(jnp.int32)
    y_bin = jnp.floor(yn * num_bins).astype(jnp.int32)
    x_bin = jnp.clip(x_bin, 0, num_bins - 1)
    y_bin = jnp.clip(y_bin, 0, num_bins - 1)
    bin_size = x.shape[0] * x.shape[1]
    xf = x_bin.reshape(-1)
    yf = y_bin.reshape(-1)
    hist_xy = jnp.zeros((num_bins, num_bins), dtype=jnp.float32).at[xf, yf].add(1.0)
    hist_x = jnp.zeros((num_bins,), dtype=jnp.float32).at[xf].add(1.0)
    hist_y = jnp.zeros((num_bins,), dtype=jnp.float32).at[yf].add(1.0)
    p_xy = hist_xy / bin_size
    p_x = hist_x / bin_size
    p_y = hist_y / bin_size
    denom = p_x[:, None] * p_y[None, :]
    mask = (p_xy > 0) & (p_x[:, None] > 0) & (p_y[None, :] > 0)
    safe_ratio = jnp.where(mask, p_xy / jnp.where(mask, denom, 1.0), 1.0)
    terms = jnp.where(mask, p_xy * jnp.log(safe_ratio), 0.0)
    mi = jnp.sum(terms)
    if NORMALIZED:
        h_x = -jnp.sum(p_x * jnp.log(p_x + 1e-08))
        h_y = -jnp.sum(p_y * jnp.log(p_y + 1e-08))
        mi = mi / (jnp.sqrt(h_x * h_y) + 1e-08)
    return -mi

if __name__ == "__main__":
    import jax
    _d = setup_inputs()
    print(jax.jit(kernel)(*tuple(_d.values())))

</pallas_src>

<mosaic_0001>
#map = affine_map<(d0, d1) -> (0)>
#map1 = affine_map<(d0, d1) -> (0, 0, 0)>
module attributes {stable_mosaic.version = 14 : i64} {
  func.func @k(%arg0: i32, %arg1: i32, %arg2: memref<524288xi32, #tpu.memory_space<hbm>>, %arg3: memref<32x512x128xf32, #tpu.memory_space<hbm>>, %arg4: memref<512x128xf32, #tpu.memory_space<vmem>>, %arg5: memref<16384xi32, #tpu.memory_space<vmem>>, %arg6: memref<!tpu.dma_semaphore, #tpu.memory_space<semaphore_mem>>, %arg7: memref<!tpu.dma_semaphore, #tpu.memory_space<semaphore_mem>>) attributes {dimension_semantics = [#tpu.dimension_semantics<core_parallel>, #tpu.dimension_semantics<subcore_parallel>], iteration_bounds = array<i64: 2, 16>, scalar_prefetch = 0 : i64, scratch_operands = 4 : i64, tpu.core_type = #tpu.core_type<sc_vector_subcore>, window_params = [{transform_indices = #map}, {transform_indices = #map1}]} {
    %mul3A = arith.constant 16 : i32
    %mul3A_0 = arith.muli %arg0, %mul3A : i32
    %add3A = arith.addi %mul3A_0, %arg1 : i32
    %mul3A_1 = arith.constant 16384 : i32
    %mul3A_2 = arith.muli %add3A, %mul3A_1 : i32
    %broadcast_in_dim3A = arith.constant 0.000000e+00 : f32
    %broadcast_in_dim3A_3 = vector.broadcast %broadcast_in_dim3A : f32 to vector<16xf32>
    %broadcast_in_dim3A_4 = arith.constant 1.000000e+00 : f32
    %broadcast_in_dim3A_5 = vector.broadcast %broadcast_in_dim3A_4 : f32 to vector<16xf32>
    %add3A_6 = arith.constant 0 : i32
    %add3A_7 = arith.addi %mul3A_2, %add3A_6 : i32
    %dma_start3A = arith.constant 0 : i32
    %dma_start3A_8 = tpu.memref_slice %arg5[%dma_start3A] : memref<16384xi32, #tpu.memory_space<vmem>> -> memref<8192xi32, #tpu.memory_space<vmem>>
    %dma_start3A_9 = tpu.memref_slice %arg2[%add3A_7] : memref<524288xi32, #tpu.memory_space<hbm>> -> memref<8192xi32, #tpu.memory_space<hbm>>
    %dma_start3A_10 = arith.constant 0 : i32
    %dma_start3A_11 = tpu.memref_slice %arg5[%dma_start3A_10] : memref<16384xi32, #tpu.memory_space<vmem>> -> memref<8192xi32, #tpu.memory_space<vmem>>
    %dma_start3A_12 = tpu.memref_slice %arg2[%add3A_7] : memref<524288xi32, #tpu.memory_space<hbm>> -> memref<8192xi32, #tpu.memory_space<hbm>>
    tpu.enqueue_dma source(%dma_start3A_12 : memref<8192xi32, #tpu.memory_space<hbm>>) target(%dma_start3A_11 : memref<8192xi32, #tpu.memory_space<vmem>>) target_semaphore(%arg6 : memref<!tpu.dma_semaphore, #tpu.memory_space<semaphore_mem>>)
    %add3A_13 = arith.constant 8192 : i32
    %add3A_14 = arith.addi %mul3A_2, %add3A_13 : i32
    %dma_start3A_15 = arith.constant 8192 : i32
    %dma_start3A_16 = tpu.memref_slice %arg5[%dma_start3A_15] : memref<16384xi32, #tpu.memory_space<vmem>> -> memref<8192xi32, #tpu.memory_space<vmem>>
    %dma_start3A_17 = tpu.memref_slice %arg2[%add3A_14] : memref<524288xi32, #tpu.memory_space<hbm>> -> memref<8192xi32, #tpu.memory_space<hbm>>
    %dma_start3A_18 = arith.constant 8192 : i32
    %dma_start3A_19 = tpu.memref_slice %arg5[%dma_start3A_18] : memref<16384xi32, #tpu.memory_space<vmem>> -> memref<8192xi32, #tpu.memory_space<vmem>>
    %dma_start3A_20 = tpu.memref_slice %arg2[%add3A_14] : memref<524288xi32, #tpu.memory_space<hbm>> -> memref<8192xi32, #tpu.memory_space<hbm>>
    tpu.enqueue_dma source(%dma_start3A_20 : memref<8192xi32, #tpu.memory_space<hbm>>) target(%dma_start3A_19 : memref<8192xi32, #tpu.memory_space<vmem>>) target_semaphore(%arg7 : memref<!tpu.dma_semaphore, #tpu.memory_space<semaphore_mem>>)
    %scan3A = arith.constant 0 : i32
    %scan3A_21 = arith.constant 512 : i32
    %scan3A_22 = arith.addi %scan3A, %scan3A_21 : i32
    %scan3A_23 = arith.constant 1 : i32
    scf.for %scan3A_45 = %scan3A to %scan3A_22 step %scan3A_23  : i32 {
      %mul3A_46 = arith.constant 1 : i32
      %mul3A_47 = arith.muli %scan3A_45, %mul3A_46 : i32
      %add3A_48 = arith.constant 0 : i32
      %add3A_49 = arith.addi %add3A_48, %mul3A_47 : i32
      %swap3A = arith.index_cast %add3A_49 : i32 to index
      %swap3A_50 = arith.constant 0 : index
      %swap3A_51 = tpu.vector_load %arg4[%swap3A, %swap3A_50] {strides = array<i32>} : memref<512x128xf32, #tpu.memory_space<vmem>>, vector<16xf32>,
      tpu.vector_store %arg4[%swap3A, %swap3A_50], %broadcast_in_dim3A_3 {strides = array<i32>} : memref<512x128xf32, #tpu.memory_space<vmem>>, vector<16xf32>,
      %swap3A_52 = arith.index_cast %add3A_49 : i32 to index
      %swap3A_53 = arith.constant 16 : index
      %swap3A_54 = tpu.vector_load %arg4[%swap3A_52, %swap3A_53] {strides = array<i32>} : memref<512x128xf32, #tpu.memory_space<vmem>>, vector<16xf32>,
      tpu.vector_store %arg4[%swap3A_52, %swap3A_53], %broadcast_in_dim3A_3 {strides = array<i32>} : memref<512x128xf32, #tpu.memory_space<vmem>>, vector<16xf32>,
      %swap3A_55 = arith.index_cast %add3A_49 : i32 to index
      %swap3A_56 = arith.constant 32 : index
      %swap3A_57 = tpu.vector_load %arg4[%swap3A_55, %swap3A_56] {strides = array<i32>} : memref<512x128xf32, #tpu.memory_space<vmem>>, vector<16xf32>,
      tpu.vector_store %arg4[%swap3A_55, %swap3A_56], %broadcast_in_dim3A_3 {strides = array<i32>} : memref<512x128xf32, #tpu.memory_space<vmem>>, vector<16xf32>,
      %swap3A_58 = arith.index_cast %add3A_49 : i32 to index
      %swap3A_59 = arith.constant 48 : index
      %swap3A_60 = tpu.vector_load %arg4[%swap3A_58, %swap3A_59] {strides = array<i32>} : memref<512x128xf32, #tpu.memory_space<vmem>>, vector<16xf32>,
      tpu.vector_store %arg4[%swap3A_58, %swap3A_59], %broadcast_in_dim3A_3 {strides = array<i32>} : memref<512x128xf32, #tpu.memory_space<vmem>>, vector<16xf32>,
      %swap3A_61 = arith.index_cast %add3A_49 : i32 to index
      %swap3A_62 = arith.constant 64 : index
      %swap3A_63 = tpu.vector_load %arg4[%swap3A_61, %swap3A_62] {strides = array<i32>} : memref<512x128xf32, #tpu.memory_space<vmem>>, vector<16xf32>,
      tpu.vector_store %arg4[%swap3A_61, %swap3A_62], %broadcast_in_dim3A_3 {strides = array<i32>} : memref<512x128xf32, #tpu.memory_space<vmem>>, vector<16xf32>,
      %swap3A_64 = arith.index_cast %add3A_49 : i32 to index
      %swap3A_65 = arith.constant 80 : index
      %swap3A_66 = tpu.vector_load %arg4[%swap3A_64, %swap3A_65] {strides = array<i32>} : memref<512x128xf32, #tpu.memory_space<vmem>>, vector<16xf32>,
      tpu.vector_store %arg4[%swap3A_64, %swap3A_65], %broadcast_in_dim3A_3 {strides = array<i32>} : memref<512x128xf32, #tpu.memory_space<vmem>>, vector<16xf32>,
      %swap3A_67 = arith.index_cast %add3A_49 : i32 to index
      %swap3A_68 = arith.constant 96 : index
      %swap3A_69 = tpu.vector_load %arg4[%swap3A_67, %swap3A_68] {strides = array<i32>} : memref<512x128xf32, #tpu.memory_space<vmem>>, vector<16xf32>,
      tpu.vector_store %arg4[%swap3A_67, %swap3A_68], %broadcast_in_dim3A_3 {strides = array<i32>} : memref<512x128xf32, #tpu.memory_space<vmem>>, vector<16xf32>,
      %swap3A_70 = arith.index_cast %add3A_49 : i32 to index
      %swap3A_71 = arith.constant 112 : index
      %swap3A_72 = tpu.vector_load %arg4[%swap3A_70, %swap3A_71] {strides = array<i32>} : memref<512x128xf32, #tpu.memory_space<vmem>>, vector<16xf32>,
      tpu.vector_store %arg4[%swap3A_70, %swap3A_71], %broadcast_in_dim3A_3 {strides = array<i32>} : memref<512x128xf32, #tpu.memory_space<vmem>>, vector<16xf32>,
    }
    %scan3A_24 = arith.constant 512 : i32
    %add3A_25 = arith.constant 0 : i32
    %add3A_26 = arith.addi %mul3A_2, %add3A_25 : i32
    %dma_wait3A = arith.constant 0 : i32
    %dma_wait3A_27 = tpu.memref_slice %arg5[%dma_wait3A] : memref<16384xi32, #tpu.memory_space<vmem>> -> memref<8192xi32, #tpu.memory_space<vmem>>
    %dma_wait3A_28 = tpu.memref_slice %arg2[%add3A_26] : memref<524288xi32, #tpu.memory_space<hbm>> -> memref<8192xi32, #tpu.memory_space<hbm>>
    %dma_wait3A_29 = arith.constant 0 : i32
    %dma_wait3A_30 = tpu.memref_slice %arg5[%dma_wait3A_29] : memref<16384xi32, #tpu.memory_space<vmem>> -> memref<8192xi32, #tpu.memory_space<vmem>>
    %dma_wait3A_31 = tpu.memref_slice %arg2[%add3A_26] : memref<524288xi32, #tpu.memory_space<hbm>> -> memref<8192xi32, #tpu.memory_space<hbm>>
    tpu.wait_dma2 semaphore(%arg6 : memref<!tpu.dma_semaphore, #tpu.memory_space<semaphore_mem>>) src(%dma_wait3A_31 : memref<8192xi32, #tpu.memory_space<hbm>>) dst(%dma_wait3A_30 : memref<8192xi32, #tpu.memory_space<vmem>>)
    %add3A_32 = arith.constant 8192 : i32
    %add3A_33 = arith.addi %mul3A_2, %add3A_32 : i32
    %dma_wait3A_34 = arith.constant 8192 : i32
    %dma_wait3A_35 = tpu.memref_slice %arg5[%dma_wait3A_34] : memref<16384xi32, #tpu.memory_space<vmem>> -> memref<8192xi32, #tpu.memory_space<vmem>>
    %dma_wait3A_36 = tpu.memref_slice %arg2[%add3A_33] : memref<524288xi32, #tpu.memory_space<hbm>> -> memref<8192xi32, #tpu.memory_space<hbm>>
    %dma_wait3A_37 = arith.constant 8192 : i32
    %dma_wait3A_38 = tpu.memref_slice %arg5[%dma_wait3A_37] : memref<16384xi32, #tpu.memory_space<vmem>> -> memref<8192xi32, #tpu.memory_space<vmem>>
    %dma_wait3A_39 = tpu.memref_slice %arg2[%add3A_33] : memref<524288xi32, #tpu.memory_space<hbm>> -> memref<8192xi32, #tpu.memory_space<hbm>>
    tpu.wait_dma2 semaphore(%arg7 : memref<!tpu.dma_semaphore, #tpu.memory_space<semaphore_mem>>) src(%dma_wait3A_39 : memref<8192xi32, #tpu.memory_space<hbm>>) dst(%dma_wait3A_38 : memref<8192xi32, #tpu.memory_space<vmem>>)
    %scan3A_40 = arith.constant 0 : i32
    %scan3A_41 = arith.constant 256 : i32
    %scan3A_42 = arith.addi %scan3A_40, %scan3A_41 : i32
    %scan3A_43 = arith.constant 1 : i32
    scf.for %scan3A_45 = %scan3A_40 to %scan3A_42 step %scan3A_43  : i32 {
      %mul3A_46 = arith.constant 64 : i32
      %mul3A_47 = arith.muli %scan3A_45, %mul3A_46 : i32
      %add3A_48 = arith.constant 0 : i32
      %add3A_49 = arith.addi %add3A_48, %mul3A_47 : i32
      %add3A_50 = arith.constant 0 : i32
      %add3A_51 = arith.addi %add3A_49, %add3A_50 : i32
      %get3A = arith.index_cast %add3A_51 : i32 to index
      %get3A_52 = tpu.vector_load %arg5[%get3A] {strides = array<i32>} : memref<16384xi32, #tpu.memory_space<vmem>>, vector<16xi32>,
      %and3A = arith.constant 65535 : i32
      %and3A_53 = vector.broadcast %and3A : i32 to vector<16xi32>
      %and3A_54 = arith.andi %get3A_52, %and3A_53 : vector<16xi32>
      %shift_right_logical3A = arith.constant 16 : i32
      %shift_right_logical3A_55 = vector.broadcast %shift_right_logical3A : i32 to vector<16xi32>
      %shift_right_logical3A_56 = arith.shrui %get3A_52, %shift_right_logical3A_55 : vector<16xi32>
      %shift_right_logical3A_57 = arith.constant 7 : i32
      %shift_right_logical3A_58 = vector.broadcast %shift_right_logical3A_57 : i32 to vector<16xi32>
      %shift_right_logical3A_59 = arith.shrui %and3A_54, %shift_right_logical3A_58 : vector<16xi32>
      %and3A_60 = arith.constant 127 : i32
      %and3A_61 = vector.broadcast %and3A_60 : i32 to vector<16xi32>
      %and3A_62 = arith.andi %and3A_54, %and3A_61 : vector<16xi32>
      tpu.vector_store_idx %arg4[%shift_right_logical3A_59, %and3A_62], %broadcast_in_dim3A_5 {add = true} : memref<512x128xf32, #tpu.memory_space<vmem>>[vector<16xi32>, vector<16xi32>], vector<16xf32>,
      %shift_right_logical3A_63 = arith.constant 7 : i32
      %shift_right_logical3A_64 = vector.broadcast %shift_right_logical3A_63 : i32 to vector<16xi32>
      %shift_right_logical3A_65 = arith.shrui %shift_right_logical3A_56, %shift_right_logical3A_64 : vector<16xi32>
      %and3A_66 = arith.constant 127 : i32
      %and3A_67 = vector.broadcast %and3A_66 : i32 to vector<16xi32>
      %and3A_68 = arith.andi %shift_right_logical3A_56, %and3A_67 : vector<16xi32>
      tpu.vector_store_idx %arg4[%shift_right_logical3A_65, %and3A_68], %broadcast_in_dim3A_5 {add = true} : memref<512x128xf32, #tpu.memory_space<vmem>>[vector<16xi32>, vector<16xi32>], vector<16xf32>,
      %add3A_69 = arith.constant 16 : i32
      %add3A_70 = arith.addi %add3A_49, %add3A_69 : i32
      %get3A_71 = arith.index_cast %add3A_70 : i32 to index
      %get3A_72 = tpu.vector_load %arg5[%get3A_71] {strides = array<i32>} : memref<16384xi32, #tpu.memory_space<vmem>>, vector<16xi32>,
      %and3A_73 = arith.constant 65535 : i32
      %and3A_74 = vector.broadcast %and3A_73 : i32 to vector<16xi32>
      %and3A_75 = arith.andi %get3A_72, %and3A_74 : vector<16xi32>
      %shift_right_logical3A_76 = arith.constant 16 : i32
      %shift_right_logical3A_77 = vector.broadcast %shift_right_logical3A_76 : i32 to vector<16xi32>
      %shift_right_logical3A_78 = arith.shrui %get3A_72, %shift_right_logical3A_77 : vector<16xi32>
      %shift_right_logical3A_79 = arith.constant 7 : i32
      %shift_right_logical3A_80 = vector.broadcast %shift_right_logical3A_79 : i32 to vector<16xi32>
      %shift_right_logical3A_81 = arith.shrui %and3A_75, %shift_right_logical3A_80 : vector<16xi32>
      %and3A_82 = arith.constant 127 : i32
      %and3A_83 = vector.broadcast %and3A_82 : i32 to vector<16xi32>
      %and3A_84 = arith.andi %and3A_75, %and3A_83 : vector<16xi32>
      tpu.vector_store_idx %arg4[%shift_right_logical3A_81, %and3A_84], %broadcast_in_dim3A_5 {add = true} : memref<512x128xf32, #tpu.memory_space<vmem>>[vector<16xi32>, vector<16xi32>], vector<16xf32>,
      %shift_right_logical3A_85 = arith.constant 7 : i32
      %shift_right_logical3A_86 = vector.broadcast %shift_right_logical3A_85 : i32 to vector<16xi32>
      %shift_right_logical3A_87 = arith.shrui %shift_right_logical3A_78, %shift_right_logical3A_86 : vector<16xi32>
      %and3A_88 = arith.constant 127 : i32
      %and3A_89 = vector.broadcast %and3A_88 : i32 to vector<16xi32>
      %and3A_90 = arith.andi %shift_right_logical3A_78, %and3A_89 : vector<16xi32>
      tpu.vector_store_idx %arg4[%shift_right_logical3A_87, %and3A_90], %broadcast_in_dim3A_5 {add = true} : memref<512x128xf32, #tpu.memory_space<vmem>>[vector<16xi32>, vector<16xi32>], vector<16xf32>,
      %add3A_91 = arith.constant 32 : i32
      %add3A_92 = arith.addi %add3A_49, %add3A_91 : i32
      %get3A_93 = arith.index_cast %add3A_92 : i32 to index
      %get3A_94 = tpu.vector_load %arg5[%get3A_93] {strides = array<i32>} : memref<16384xi32, #tpu.memory_space<vmem>>, vector<16xi32>,
      %and3A_95 = arith.constant 65535 : i32
      %and3A_96 = vector.broadcast %and3A_95 : i32 to vector<16xi32>
      %and3A_97 = arith.andi %get3A_94, %and3A_96 : vector<16xi32>
      %shift_right_logical3A_98 = arith.constant 16 : i32
      %shift_right_logical3A_99 = vector.broadcast %shift_right_logical3A_98 : i32 to vector<16xi32>
      %shift_right_logical3A_100 = arith.shrui %get3A_94, %shift_right_logical3A_99 : vector<16xi32>
      %shift_right_logical3A_101 = arith.constant 7 : i32
      %shift_right_logical3A_102 = vector.broadcast %shift_right_logical3A_101 : i32 to vector<16xi32>
      %shift_right_logical3A_103 = arith.shrui %and3A_97, %shift_right_logical3A_102 : vector<16xi32>
      %and3A_104 = arith.constant 127 : i32
      %and3A_105 = vector.broadcast %and3A_104 : i32 to vector<16xi32>
      %and3A_106 = arith.andi %and3A_97, %and3A_105 : vector<16xi32>
      tpu.vector_store_idx %arg4[%shift_right_logical3A_103, %and3A_106], %broadcast_in_dim3A_5 {add = true} : memref<512x128xf32, #tpu.memory_space<vmem>>[vector<16xi32>, vector<16xi32>], vector<16xf32>,
      %shift_right_logical3A_107 = arith.constant 7 : i32
      %shift_right_logical3A_108 = vector.broadcast %shift_right_logical3A_107 : i32 to vector<16xi32>
      %shift_right_logical3A_109 = arith.shrui %shift_right_logical3A_100, %shift_right_logical3A_108 : vector<16xi32>
      %and3A_110 = arith.constant 127 : i32
      %and3A_111 = vector.broadcast %and3A_110 : i32 to vector<16xi32>
      %and3A_112 = arith.andi %shift_right_logical3A_100, %and3A_111 : vector<16xi32>
      tpu.vector_store_idx %arg4[%shift_right_logical3A_109, %and3A_112], %broadcast_in_dim3A_5 {add = true} : memref<512x128xf32, #tpu.memory_space<vmem>>[vector<16xi32>, vector<16xi32>], vector<16xf32>,
      %add3A_113 = arith.constant 48 : i32
      %add3A_114 = arith.addi %add3A_49, %add3A_113 : i32
      %get3A_115 = arith.index_cast %add3A_114 : i32 to index
      %get3A_116 = tpu.vector_load %arg5[%get3A_115] {strides = array<i32>} : memref<16384xi32, #tpu.memory_space<vmem>>, vector<16xi32>,
      %and3A_117 = arith.constant 65535 : i32
      %and3A_118 = vector.broadcast %and3A_117 : i32 to vector<16xi32>
      %and3A_119 = arith.andi %get3A_116, %and3A_118 : vector<16xi32>
      %shift_right_logical3A_120 = arith.constant 16 : i32
      %shift_right_logical3A_121 = vector.broadcast %shift_right_logical3A_120 : i32 to vector<16xi32>
      %shift_right_logical3A_122 = arith.shrui %get3A_116, %shift_right_logical3A_121 : vector<16xi32>
      %shift_right_logical3A_123 = arith.constant 7 : i32
      %shift_right_logical3A_124 = vector.broadcast %shift_right_logical3A_123 : i32 to vector<16xi32>
      %shift_right_logical3A_125 = arith.shrui %and3A_119, %shift_right_logical3A_124 : vector<16xi32>
      %and3A_126 = arith.constant 127 : i32
      %and3A_127 = vector.broadcast %and3A_126 : i32 to vector<16xi32>
      %and3A_128 = arith.andi %and3A_119, %and3A_127 : vector<16xi32>
      tpu.vector_store_idx %arg4[%shift_right_logical3A_125, %and3A_128], %broadcast_in_dim3A_5 {add = true} : memref<512x128xf32, #tpu.memory_space<vmem>>[vector<16xi32>, vector<16xi32>], vector<16xf32>,
      %shift_right_logical3A_129 = arith.constant 7 : i32
      %shift_right_logical3A_130 = vector.broadcast %shift_right_logical3A_129 : i32 to vector<16xi32>
      %shift_right_logical3A_131 = arith.shrui %shift_right_logical3A_122, %shift_right_logical3A_130 : vector<16xi32>
      %and3A_132 = arith.constant 127 : i32
      %and3A_133 = vector.broadcast %and3A_132 : i32 to vector<16xi32>
      %and3A_134 = arith.andi %shift_right_logical3A_122, %and3A_133 : vector<16xi32>
      tpu.vector_store_idx %arg4[%shift_right_logical3A_131, %and3A_134], %broadcast_in_dim3A_5 {add = true} : memref<512x128xf32, #tpu.memory_space<vmem>>[vector<16xi32>, vector<16xi32>], vector<16xf32>,
    }
    %scan3A_44 = arith.constant 256 : i32
    "tpu.region"() ({
      %run_scoped3A = tpu.sem_alloc : memref<!tpu.dma_semaphore, #tpu.memory_space<semaphore_mem>>
      %dma_start3A_45 = arith.constant 0 : i32
      %dma_start3A_46 = arith.constant 0 : i32
      %dma_start3A_47 = tpu.memref_slice %arg3[%add3A, %dma_start3A_45, %dma_start3A_46] : memref<32x512x128xf32, #tpu.memory_space<hbm>> -> memref<1x512x128xf32, #tpu.memory_space<hbm>>
      %dma_start3A_48 = tpu.memref_squeeze %dma_start3A_47 : memref<1x512x128xf32, #tpu.memory_space<hbm>> -> memref<512x128xf32, #tpu.memory_space<hbm>>
      %dma_start3A_49 = arith.constant 0 : i32
      %dma_start3A_50 = arith.constant 0 : i32
      %dma_start3A_51 = tpu.memref_slice %arg3[%add3A, %dma_start3A_49, %dma_start3A_50] : memref<32x512x128xf32, #tpu.memory_space<hbm>> -> memref<1x512x128xf32, #tpu.memory_space<hbm>>
      %dma_start3A_52 = tpu.memref_squeeze %dma_start3A_51 : memref<1x512x128xf32, #tpu.memory_space<hbm>> -> memref<512x128xf32, #tpu.memory_space<hbm>>
      tpu.enqueue_dma source(%arg4 : memref<512x128xf32, #tpu.memory_space<vmem>>) target(%dma_start3A_52 : memref<512x128xf32, #tpu.memory_space<hbm>>) target_semaphore(%run_scoped3A : memref<!tpu.dma_semaphore, #tpu.memory_space<semaphore_mem>>)
      %dma_wait3A_53 = arith.constant 0 : i32
      %dma_wait3A_54 = arith.constant 0 : i32
      %dma_wait3A_55 = tpu.memref_slice %arg3[%add3A, %dma_wait3A_53, %dma_wait3A_54] : memref<32x512x128xf32, #tpu.memory_space<hbm>> -> memref<1x512x128xf32, #tpu.memory_space<hbm>>
      %dma_wait3A_56 = tpu.memref_squeeze %dma_wait3A_55 : memref<1x512x128xf32, #tpu.memory_space<hbm>> -> memref<512x128xf32, #tpu.memory_space<hbm>>
      %dma_wait3A_57 = arith.constant 0 : i32
      %dma_wait3A_58 = arith.constant 0 : i32
      %dma_wait3A_59 = tpu.memref_slice %arg3[%add3A, %dma_wait3A_57, %dma_wait3A_58] : memref<32x512x128xf32, #tpu.memory_space<hbm>> -> memref<1x512x128xf32, #tpu.memory_space<hbm>>
      %dma_wait3A_60 = tpu.memref_squeeze %dma_wait3A_59 : memref<1x512x128xf32, #tpu.memory_space<hbm>> -> memref<512x128xf32, #tpu.memory_space<hbm>>
      tpu.wait_dma2 semaphore(%run_scoped3A : memref<!tpu.dma_semaphore, #tpu.memory_space<semaphore_mem>>) src(%arg4 : memref<512x128xf32, #tpu.memory_space<vmem>>) dst(%dma_wait3A_60 : memref<512x128xf32, #tpu.memory_space<hbm>>)
      tpu.yield
    }) : () -> ()
    return
  }
}

module attributes {stable_mosaic.version = 14 : i64} {
  func.func @body(%arg0: i32, %arg1: memref<32x512x128xf32, #tpu.memory_space<vmem>>, %arg2: memref<1xf32, #tpu.memory_space<smem>>, %arg3: memref<512x128xf32, #tpu.memory_space<vmem>>) attributes {dimension_semantics = [#tpu.dimension_semantics<arbitrary>], iteration_bounds = array<i64: 1>, scalar_prefetch = 0 : i64, scratch_operands = 1 : i64, tpu.core_type = #tpu.core_type<tc>, window_params = [{transform_indices = @transform_0, window_bounds = array<i64: 32, 512, 128>}, {transform_indices = @transform_1, window_bounds = array<i64: 1>}]} {
    %get3A = arith.constant 0 : index
    %get3A_0 = arith.constant 0 : index
    %get3A_1 = arith.constant 0 : index
    %get3A_2 = vector.load %arg1[%get3A, %get3A_0, %get3A_1] : memref<32x512x128xf32, #tpu.memory_space<vmem>>, vector<32x512x128xf32>
    %reduce_sum3A = arith.constant dense<0.000000e+00> : vector<512x128xf32>
    %reduce_sum3A_3 = vector.multi_reduction <add>, %get3A_2, %reduce_sum3A [0] : vector<32x512x128xf32> to vector<512x128xf32>
    %eq3A = arith.constant 0 : i32
    %eq3A_4 = arith.cmpi eq, %arg0, %eq3A : i32
    %convert_element_type3A = arith.extui %eq3A_4 : i1 to i32
    %cond3A = arith.constant 0 : i32
    %cond3A_5 = arith.cmpi ne, %convert_element_type3A, %cond3A : i32
    scf.if %cond3A_5 {
      %swap3A = arith.constant 0 : index
      %swap3A_15 = arith.constant 0 : index
      %swap3A_16 = vector.load %arg3[%swap3A, %swap3A_15] : memref<512x128xf32, #tpu.memory_space<vmem>>, vector<512x128xf32>
      tpu.vector_store %arg3[%swap3A, %swap3A_15], %reduce_sum3A_3 {strides = array<i32>} : memref<512x128xf32, #tpu.memory_space<vmem>>, vector<512x128xf32>,
    } else {
    }
    %gt3A = arith.constant 0 : i32
    %gt3A_6 = arith.cmpi sgt, %arg0, %gt3A : i32
    %convert_element_type3A_7 = arith.extui %gt3A_6 : i1 to i32
    %cond3A_8 = arith.constant 0 : i32
    %cond3A_9 = arith.cmpi ne, %convert_element_type3A_7, %cond3A_8 : i32
    scf.if %cond3A_9 {
      %get3A_15 = arith.constant 0 : index
      %get3A_16 = arith.constant 0 : index
      %get3A_17 = vector.load %arg3[%get3A_15, %get3A_16] : memref<512x128xf32, #tpu.memory_space<vmem>>, vector<512x128xf32>
      %add3A = arith.addf %get3A_17, %reduce_sum3A_3 : vector<512x128xf32>
      %swap3A = arith.constant 0 : index
      %swap3A_18 = arith.constant 0 : index
      %swap3A_19 = vector.load %arg3[%swap3A, %swap3A_18] : memref<512x128xf32, #tpu.memory_space<vmem>>, vector<512x128xf32>
      tpu.vector_store %arg3[%swap3A, %swap3A_18], %add3A {strides = array<i32>} : memref<512x128xf32, #tpu.memory_space<vmem>>, vector<512x128xf32>,
    } else {
    }
    %eq3A_10 = arith.constant 0 : i32
    %eq3A_11 = arith.cmpi eq, %arg0, %eq3A_10 : i32
    %convert_element_type3A_12 = arith.extui %eq3A_11 : i1 to i32
    %cond3A_13 = arith.constant 0 : i32
    %cond3A_14 = arith.cmpi ne, %convert_element_type3A_12, %cond3A_13 : i32
    scf.if %cond3A_14 {
      %get3A_15 = arith.constant 0 : index
      %get3A_16 = arith.constant 0 : index
      %get3A_17 = vector.load %arg3[%get3A_15, %get3A_16] : memref<512x128xf32, #tpu.memory_space<vmem>>, vector<512x128xf32>
      %reshape3A = vector.shape_cast %get3A_17 : vector<512x128xf32> to vector<256x256xf32>
      %div3A = arith.constant 0x49800000 : f32
      %div3A_18 = vector.broadcast %div3A : f32 to vector<256x256xf32>
      %div3A_19 = arith.divf %reshape3A, %div3A_18 : vector<256x256xf32>
      %reduce_sum3A_20 = arith.constant dense<0.000000e+00> : vector<256xf32>
      %reduce_sum3A_21 = vector.multi_reduction <add>, %div3A_19, %reduce_sum3A_20 [1] : vector<256x256xf32> to vector<256xf32>
      %broadcast_in_dim3A = vector.shape_cast %reduce_sum3A_21 : vector<256xf32> to vector<256x1xf32>
      %reduce_sum3A_22 = arith.constant dense<0.000000e+00> : vector<256xf32>
      %reduce_sum3A_23 = vector.multi_reduction <add>, %div3A_19, %reduce_sum3A_22 [0] : vector<256x256xf32> to vector<256xf32>
      %broadcast_in_dim3A_24 = vector.shape_cast %reduce_sum3A_23 : vector<256xf32> to vector<1x256xf32>
      %mul3A = vector.broadcast %broadcast_in_dim3A : vector<256x1xf32> to vector<256x256xf32>
      %mul3A_25 = vector.broadcast %broadcast_in_dim3A_24 : vector<1x256xf32> to vector<256x256xf32>
      %mul3A_26 = arith.mulf %mul3A, %mul3A_25 : vector<256x256xf32>
      %gt3A_27 = arith.constant 0.000000e+00 : f32
      %gt3A_28 = vector.broadcast %gt3A_27 : f32 to vector<256x256xf32>
      %gt3A_29 = arith.cmpf ogt, %div3A_19, %gt3A_28 : vector<256x256xf32>
      %gt3A_30 = arith.constant 0.000000e+00 : f32
      %gt3A_31 = vector.broadcast %gt3A_30 : f32 to vector<256x1xf32>
      %gt3A_32 = arith.cmpf ogt, %broadcast_in_dim3A, %gt3A_31 : vector<256x1xf32>
      %and3A = vector.broadcast %gt3A_32 : vector<256x1xi1> to vector<256x256xi1>
      %and3A_33 = arith.andi %gt3A_29, %and3A : vector<256x256xi1>
      %gt3A_34 = arith.constant 0.000000e+00 : f32
      %gt3A_35 = vector.broadcast %gt3A_34 : f32 to vector<1x256xf32>
      %gt3A_36 = arith.cmpf ogt, %broadcast_in_dim3A_24, %gt3A_35 : vector<1x256xf32>
      %and3A_37 = vector.broadcast %gt3A_36 : vector<1x256xi1> to vector<256x256xi1>
      %and3A_38 = arith.andi %and3A_33, %and3A_37 : vector<256x256xi1>
      %jit3A = arith.constant 1.000000e+00 : f32
      %broadcast_in_dim3A_39 = vector.broadcast %jit3A : f32 to vector<256x256xf32>
      %select_n3A = arith.select %and3A_38, %mul3A_26, %broadcast_in_dim3A_39 : vector<256x256xi1>, vector<256x256xf32>
      %div3A_40 = arith.divf %div3A_19, %select_n3A : vector<256x256xf32>
      %jit3A_41 = arith.constant 1.000000e+00 : f32
      %broadcast_in_dim3A_42 = vector.broadcast %jit3A_41 : f32 to vector<256x256xf32>
      %select_n3A_43 = arith.select %and3A_38, %div3A_40, %broadcast_in_dim3A_42 : vector<256x256xi1>, vector<256x256xf32>
      %log3A = math.log %select_n3A_43 : vector<256x256xf32>
      %mul3A_44 = arith.mulf %div3A_19, %log3A : vector<256x256xf32>
      %jit3A_45 = arith.constant 0.000000e+00 : f32
      %broadcast_in_dim3A_46 = vector.broadcast %jit3A_45 : f32 to vector<256x256xf32>
      %select_n3A_47 = arith.select %and3A_38, %mul3A_44, %broadcast_in_dim3A_46 : vector<256x256xi1>, vector<256x256xf32>
      %reduce_sum3A_48 = vector.shape_cast %select_n3A_47 : vector<256x256xf32> to vector<1x256x256xf32>
      %reduce_sum3A_49 = arith.constant dense<0.000000e+00> : vector<1xf32>
      %reduce_sum3A_50 = vector.multi_reduction <add>, %reduce_sum3A_48, %reduce_sum3A_49 [1, 2] : vector<1x256x256xf32> to vector<1xf32>
      %reduce_sum3A_51 = vector.shape_cast %reduce_sum3A_50 : vector<1xf32> to vector<1x1x1xf32>
      %reduce_sum3A_52 = vector.extract %reduce_sum3A_51[0, 0, 0] : f32 from vector<1x1x1xf32>
      %add3A = arith.constant 9.99999993E-9 : f32
      %add3A_53 = vector.broadcast %add3A : f32 to vector<256x1xf32>
      %add3A_54 = arith.addf %broadcast_in_dim3A, %add3A_53 : vector<256x1xf32>
      %log3A_55 = math.log %add3A_54 : vector<256x1xf32>
      %mul3A_56 = arith.mulf %broadcast_in_dim3A, %log3A_55 : vector<256x1xf32>
      %reduce_sum3A_57 = vector.shape_cast %mul3A_56 : vector<256x1xf32> to vector<1x256x1xf32>
      %reduce_sum3A_58 = arith.constant dense<0.000000e+00> : vector<1xf32>
      %reduce_sum3A_59 = vector.multi_reduction <add>, %reduce_sum3A_57, %reduce_sum3A_58 [1, 2] : vector<1x256x1xf32> to vector<1xf32>
      %reduce_sum3A_60 = vector.shape_cast %reduce_sum3A_59 : vector<1xf32> to vector<1x1x1xf32>
      %reduce_sum3A_61 = vector.extract %reduce_sum3A_60[0, 0, 0] : f32 from vector<1x1x1xf32>
      %neg3A = arith.constant 0.000000e+00 : f32
      %neg3A_62 = arith.subf %neg3A, %reduce_sum3A_61 : f32
      %add3A_63 = arith.constant 9.99999993E-9 : f32
      %add3A_64 = vector.broadcast %add3A_63 : f32 to vector<1x256xf32>
      %add3A_65 = arith.addf %broadcast_in_dim3A_24, %add3A_64 : vector<1x256xf32>
      %log3A_66 = math.log %add3A_65 : vector<1x256xf32>
      %mul3A_67 = arith.mulf %broadcast_in_dim3A_24, %log3A_66 : vector<1x256xf32>
      %reduce_sum3A_68 = vector.shape_cast %mul3A_67 : vector<1x256xf32> to vector<1x1x256xf32>
      %reduce_sum3A_69 = arith.constant dense<0.000000e+00> : vector<1xf32>
      %reduce_sum3A_70 = vector.multi_reduction <add>, %reduce_sum3A_68, %reduce_sum3A_69 [1, 2] : vector<1x1x256xf32> to vector<1xf32>
      %reduce_sum3A_71 = vector.shape_cast %reduce_sum3A_70 : vector<1xf32> to vector<1x1x1xf32>
      %reduce_sum3A_72 = vector.extract %reduce_sum3A_71[0, 0, 0] : f32 from vector<1x1x1xf32>
      %neg3A_73 = arith.constant 0.000000e+00 : f32
      %neg3A_74 = arith.subf %neg3A_73, %reduce_sum3A_72 : f32
      %mul3A_75 = arith.mulf %neg3A_62, %neg3A_74 : f32
      %sqrt3A = math.sqrt %mul3A_75 : f32
      %add3A_76 = arith.constant 9.99999993E-9 : f32
      %add3A_77 = arith.addf %sqrt3A, %add3A_76 : f32
      %div3A_78 = arith.divf %reduce_sum3A_52, %add3A_77 : f32
      %neg3A_79 = arith.constant 0.000000e+00 : f32
      %neg3A_80 = arith.subf %neg3A_79, %div3A_78 : f32
      %swap3A = arith.constant 0 : index
      %swap3A_81 = memref.load %arg2[%swap3A] : memref<1xf32, #tpu.memory_space<smem>>
      memref.store %neg3A_80, %arg2[%swap3A] : memref<1xf32, #tpu.memory_space<smem>>
    } else {
    }
    return
  }
  func.func @transform_0(%arg0: i32) -> (i32, i32, i32) {
    %c0_i32 = arith.constant 0 : i32
    %c0_i32_0 = arith.constant 0 : i32
    %c0_i32_1 = arith.constant 0 : i32
    return %arg0, %c0_i32, %c0_i32_0 : i32, i32, i32
  }
  func.func @transform_1(%arg0: i32) -> i32 {
    %c0_i32 = arith.constant 0 : i32
    %c0_i32_0 = arith.constant 0 : i32
    return %c0_i32 : i32
  }
}

module attributes {stable_mosaic.version = 14 : i64} {
  func.func @body(%arg0: i32, %arg1: memref<4xf32, #tpu.memory_space<smem>>, %arg2: memref<1024x256xf32, #tpu.memory_space<vmem>>, %arg3: memref<1024x256xf32, #tpu.memory_space<vmem>>, %arg4: memref<1024x128xi32, #tpu.memory_space<vmem>>) attributes {dimension_semantics = [#tpu.dimension_semantics<arbitrary>], iteration_bounds = array<i64: 4>, scalar_prefetch = 0 : i64, scratch_operands = 0 : i64, tpu.core_type = #tpu.core_type<tc>, window_params = [{transform_indices = @transform_0, window_bounds = array<i64: 4>}, {transform_indices = @transform_1, window_bounds = array<i64: 1024, 256>}, {transform_indices = @transform_2, window_bounds = array<i64: 1024, 256>}, {transform_indices = @transform_3, window_bounds = array<i64: 1024, 128>}]} {
    %get3A = arith.constant 0 : index
    %get3A_0 = arith.constant 0 : index
    %get3A_1 = vector.load %arg2[%get3A, %get3A_0] : memref<1024x256xf32, #tpu.memory_space<vmem>>, vector<1024x256xf32>
    %get3A_2 = arith.constant 0 : index
    %get3A_3 = memref.load %arg1[%get3A_2] : memref<4xf32, #tpu.memory_space<smem>>
    %sub3A = vector.broadcast %get3A_3 : f32 to vector<1024x256xf32>
    %sub3A_4 = arith.subf %get3A_1, %sub3A : vector<1024x256xf32>
    %get3A_5 = arith.constant 1 : index
    %get3A_6 = memref.load %arg1[%get3A_5] : memref<4xf32, #tpu.memory_space<smem>>
    %get3A_7 = arith.constant 0 : index
    %get3A_8 = memref.load %arg1[%get3A_7] : memref<4xf32, #tpu.memory_space<smem>>
    %sub3A_9 = arith.subf %get3A_6, %get3A_8 : f32
    %add3A = arith.constant 9.99999993E-9 : f32
    %add3A_10 = arith.addf %sub3A_9, %add3A : f32
    %div3A = vector.broadcast %add3A_10 : f32 to vector<1024x256xf32>
    %div3A_11 = arith.divf %sub3A_4, %div3A : vector<1024x256xf32>
    %get3A_12 = arith.constant 0 : index
    %get3A_13 = arith.constant 0 : index
    %get3A_14 = vector.load %arg3[%get3A_12, %get3A_13] : memref<1024x256xf32, #tpu.memory_space<vmem>>, vector<1024x256xf32>
    %get3A_15 = arith.constant 2 : index
    %get3A_16 = memref.load %arg1[%get3A_15] : memref<4xf32, #tpu.memory_space<smem>>
    %sub3A_17 = vector.broadcast %get3A_16 : f32 to vector<1024x256xf32>
    %sub3A_18 = arith.subf %get3A_14, %sub3A_17 : vector<1024x256xf32>
    %get3A_19 = arith.constant 3 : index
    %get3A_20 = memref.load %arg1[%get3A_19] : memref<4xf32, #tpu.memory_space<smem>>
    %get3A_21 = arith.constant 2 : index
    %get3A_22 = memref.load %arg1[%get3A_21] : memref<4xf32, #tpu.memory_space<smem>>
    %sub3A_23 = arith.subf %get3A_20, %get3A_22 : f32
    %add3A_24 = arith.constant 9.99999993E-9 : f32
    %add3A_25 = arith.addf %sub3A_23, %add3A_24 : f32
    %div3A_26 = vector.broadcast %add3A_25 : f32 to vector<1024x256xf32>
    %div3A_27 = arith.divf %sub3A_18, %div3A_26 : vector<1024x256xf32>
    %mul3A = arith.constant 2.560000e+02 : f32
    %mul3A_28 = vector.broadcast %mul3A : f32 to vector<1024x256xf32>
    %mul3A_29 = arith.mulf %div3A_11, %mul3A_28 : vector<1024x256xf32>
    %floor3A = math.floor %mul3A_29 : vector<1024x256xf32>
    %convert_element_type3A = arith.fptosi %floor3A : vector<1024x256xf32> to vector<1024x256xi32>
    %jit3A = arith.constant 0 : i32
    %jit3A_30 = arith.constant 255 : i32
    %max3A = vector.broadcast %jit3A : i32 to vector<1024x256xi32>
    %max3A_31 = arith.maxsi %max3A, %convert_element_type3A : vector<1024x256xi32>
    %min3A = vector.broadcast %jit3A_30 : i32 to vector<1024x256xi32>
    %min3A_32 = arith.minsi %min3A, %max3A_31 : vector<1024x256xi32>
    %mul3A_33 = arith.constant 2.560000e+02 : f32
    %mul3A_34 = vector.broadcast %mul3A_33 : f32 to vector<1024x256xf32>
    %mul3A_35 = arith.mulf %div3A_27, %mul3A_34 : vector<1024x256xf32>
    %floor3A_36 = math.floor %mul3A_35 : vector<1024x256xf32>
    %convert_element_type3A_37 = arith.fptosi %floor3A_36 : vector<1024x256xf32> to vector<1024x256xi32>
    %jit3A_38 = arith.constant 0 : i32
    %jit3A_39 = arith.constant 255 : i32
    %max3A_40 = vector.broadcast %jit3A_38 : i32 to vector<1024x256xi32>
    %max3A_41 = arith.maxsi %max3A_40, %convert_element_type3A_37 : vector<1024x256xi32>
    %min3A_42 = vector.broadcast %jit3A_39 : i32 to vector<1024x256xi32>
    %min3A_43 = arith.minsi %min3A_42, %max3A_41 : vector<1024x256xi32>
    %mul3A_44 = arith.constant 256 : i32
    %mul3A_45 = vector.broadcast %mul3A_44 : i32 to vector<1024x256xi32>
    %mul3A_46 = arith.muli %min3A_32, %mul3A_45 : vector<1024x256xi32>
    %add3A_47 = arith.addi %mul3A_46, %min3A_43 : vector<1024x256xi32>
    %slice3A = vector.extract_strided_slice %add3A_47 {offsets = [0, 0], sizes = [1024, 128], strides = [1, 1]} : vector<1024x256xi32> to vector<1024x128xi32>
    %slice3A_48 = vector.extract_strided_slice %add3A_47 {offsets = [0, 128], sizes = [1024, 128], strides = [1, 1]} : vector<1024x256xi32> to vector<1024x128xi32>
    %shift_left3A = arith.constant 16 : i32
    %shift_left3A_49 = vector.broadcast %shift_left3A : i32 to vector<1024x128xi32>
    %shift_left3A_50 = arith.shli %slice3A_48, %shift_left3A_49 : vector<1024x128xi32>
    %or3A = arith.ori %slice3A, %shift_left3A_50 : vector<1024x128xi32>
    %swap3A = arith.constant 0 : index
    %swap3A_51 = arith.constant 0 : index
    %swap3A_52 = vector.load %arg4[%swap3A, %swap3A_51] : memref<1024x128xi32, #tpu.memory_space<vmem>>, vector<1024x128xi32>
    tpu.vector_store %arg4[%swap3A, %swap3A_51], %or3A {strides = array<i32>} : memref<1024x128xi32, #tpu.memory_space<vmem>>, vector<1024x128xi32>,
    return
  }
  func.func @transform_0(%arg0: i32) -> i32 {
    %c0_i32 = arith.constant 0 : i32
    %c0_i32_0 = arith.constant 0 : i32
    return %c0_i32 : i32
  }
  func.func @transform_1(%arg0: i32) -> (i32, i32) {
    %c0_i32 = arith.constant 0 : i32
    %c0_i32_0 = arith.constant 0 : i32
    return %c0_i32, %arg0 : i32, i32
  }
  func.func @transform_2(%arg0: i32) -> (i32, i32) {
    %c0_i32 = arith.constant 0 : i32
    %c0_i32_0 = arith.constant 0 : i32
    return %c0_i32, %arg0 : i32, i32
  }
  func.func @transform_3(%arg0: i32) -> (i32, i32) {
    %c0_i32 = arith.constant 0 : i32
    %c0_i32_0 = arith.constant 0 : i32
    return %arg0, %c0_i32 : i32, i32
  }
}

module attributes {stable_mosaic.version = 14 : i64} {
  func.func @body(%arg0: memref<1024x1024xf32, #tpu.memory_space<vmem>>, %arg1: memref<1024x1024xf32, #tpu.memory_space<vmem>>, %arg2: memref<4xf32, #tpu.memory_space<smem>>) attributes {dimension_semantics = [], scalar_prefetch = 0 : i64, scratch_operands = 0 : i64, tpu.core_type = #tpu.core_type<tc>} {
    %get3A = arith.constant 0 : index
    %get3A_0 = arith.constant 0 : index
    %get3A_1 = vector.load %arg0[%get3A, %get3A_0] : memref<1024x1024xf32, #tpu.memory_space<vmem>>, vector<1024x1024xf32>
    %reduce_min3A = vector.shape_cast %get3A_1 : vector<1024x1024xf32> to vector<1x1024x1024xf32>
    %reduce_min3A_2 = arith.constant dense<0x7F800000> : vector<1xf32>
    %reduce_min3A_3 = vector.multi_reduction <minimumf>, %reduce_min3A, %reduce_min3A_2 [1, 2] : vector<1x1024x1024xf32> to vector<1xf32>
    %reduce_min3A_4 = vector.shape_cast %reduce_min3A_3 : vector<1xf32> to vector<1x1x1xf32>
    %reduce_min3A_5 = vector.extract %reduce_min3A_4[0, 0, 0] : f32 from vector<1x1x1xf32>
    %swap3A = arith.constant 0 : index
    %swap3A_6 = memref.load %arg2[%swap3A] : memref<4xf32, #tpu.memory_space<smem>>
    memref.store %reduce_min3A_5, %arg2[%swap3A] : memref<4xf32, #tpu.memory_space<smem>>
    %get3A_7 = arith.constant 0 : index
    %get3A_8 = arith.constant 0 : index
    %get3A_9 = vector.load %arg0[%get3A_7, %get3A_8] : memref<1024x1024xf32, #tpu.memory_space<vmem>>, vector<1024x1024xf32>
    %reduce_max3A = vector.shape_cast %get3A_9 : vector<1024x1024xf32> to vector<1x1024x1024xf32>
    %reduce_max3A_10 = arith.constant dense<0xFF800000> : vector<1xf32>
    %reduce_max3A_11 = vector.multi_reduction <maximumf>, %reduce_max3A, %reduce_max3A_10 [1, 2] : vector<1x1024x1024xf32> to vector<1xf32>
    %reduce_max3A_12 = vector.shape_cast %reduce_max3A_11 : vector<1xf32> to vector<1x1x1xf32>
    %reduce_max3A_13 = vector.extract %reduce_max3A_12[0, 0, 0] : f32 from vector<1x1x1xf32>
    %swap3A_14 = arith.constant 1 : index
    %swap3A_15 = memref.load %arg2[%swap3A_14] : memref<4xf32, #tpu.memory_space<smem>>
    memref.store %reduce_max3A_13, %arg2[%swap3A_14] : memref<4xf32, #tpu.memory_space<smem>>
    %get3A_16 = arith.constant 0 : index
    %get3A_17 = arith.constant 0 : index
    %get3A_18 = vector.load %arg1[%get3A_16, %get3A_17] : memref<1024x1024xf32, #tpu.memory_space<vmem>>, vector<1024x1024xf32>
    %reduce_min3A_19 = vector.shape_cast %get3A_18 : vector<1024x1024xf32> to vector<1x1024x1024xf32>
    %reduce_min3A_20 = arith.constant dense<0x7F800000> : vector<1xf32>
    %reduce_min3A_21 = vector.multi_reduction <minimumf>, %reduce_min3A_19, %reduce_min3A_20 [1, 2] : vector<1x1024x1024xf32> to vector<1xf32>
    %reduce_min3A_22 = vector.shape_cast %reduce_min3A_21 : vector<1xf32> to vector<1x1x1xf32>
    %reduce_min3A_23 = vector.extract %reduce_min3A_22[0, 0, 0] : f32 from vector<1x1x1xf32>
    %swap3A_24 = arith.constant 2 : index
    %swap3A_25 = memref.load %arg2[%swap3A_24] : memref<4xf32, #tpu.memory_space<smem>>
    memref.store %reduce_min3A_23, %arg2[%swap3A_24] : memref<4xf32, #tpu.memory_space<smem>>
    %get3A_26 = arith.constant 0 : index
    %get3A_27 = arith.constant 0 : index
    %get3A_28 = vector.load %arg1[%get3A_26, %get3A_27] : memref<1024x1024xf32, #tpu.memory_space<vmem>>, vector<1024x1024xf32>
    %reduce_max3A_29 = vector.shape_cast %get3A_28 : vector<1024x1024xf32> to vector<1x1024x1024xf32>
    %reduce_max3A_30 = arith.constant dense<0xFF800000> : vector<1xf32>
    %reduce_max3A_31 = vector.multi_reduction <maximumf>, %reduce_max3A_29, %reduce_max3A_30 [1, 2] : vector<1x1024x1024xf32> to vector<1xf32>
    %reduce_max3A_32 = vector.shape_cast %reduce_max3A_31 : vector<1xf32> to vector<1x1x1xf32>
    %reduce_max3A_33 = vector.extract %reduce_max3A_32[0, 0, 0] : f32 from vector<1x1x1xf32>
    %swap3A_34 = arith.constant 3 : index
    %swap3A_35 = memref.load %arg2[%swap3A_34] : memref<4xf32, #tpu.memory_space<smem>>
    memref.store %reduce_max3A_33, %arg2[%swap3A_34] : memref<4xf32, #tpu.memory_space<smem>>
    return
  }
}

</mosaic_0001>

<sc_bundles>
// kernel: kernel.6.cloned.1.call-start
scs
__scs_entry_jumppad:
0x0: {  	(pc) =	sbr.rel $0x88, $3  }
0x1: {  	(tag) =	ssettag $0x0;
	lr =	simm.s32 $0x1  }
0x2: {  	[smem:$0x3F9F] =	sst lr;
	_ =	strace $0xD0000000  }
0x3: {  	_ = 	snop  }
0x4: {  	_ = 	snop  }
0x5: {  	_ = 	snop  }
0x6: {  	_ = 	snop  }
0x7: {  	_ = 	snop  }
__scs_overlays_trampoline_lowered:
0x8: {  	[smem:$0x3FAE] =	sst s0  }
0x9: {  	[smem:$0x3FAF] =	sst s1  }
0xa: {  	[smem:$0x3FB0] =	sst s2  }
0xb: {  	[smem:$0x3FB1] =	sst s3  }
0xc: {  	[smem:$0x3FB2] =	sst s4  }
0xd: {  	[smem:$0x3FB3] =	sst s5  }
0xe: {  	[smem:$0x3FB4] =	sst s6  }
0xf: {  	[smem:$0x3FB5] =	sst s7  }
0x10: {  	[smem:$0x3FB6] =	sst s8  }
0x11: {  	[smem:$0x3FB7] =	sst s9;
	s0 =	simm.s32 @!p0 $0x0  }
0x12: {  	s1 =	sld [smem:$0x3F9D];
	s0 =	simm.s32 @p0 $0x1  }
0x13: {  	[smem:$0x3FB8] =	sst s0;
	s0 =	simm.s32 @!p1 $0x0  }
0x14: {  	s2 =	sld [smem:$0x3F9C];
	s0 =	simm.s32 @p1 $0x1  }
0x15: {  	[smem:$0x3FB9] =	sst s0;
	s0 =	simm.s32 @!p2 $0x0  }
0x16: {  	s3 =	sld [smem:$0x3FDB];
	s0 =	simm.s32 @p2 $0x1  }
0x17: {  	s4 =	simm.s32 $0x1BF5;
	[smem:$0x3FBB] =	sst s0  }
0x18: {  	s0 =	sld [smem:$0x3F9E];
	_ =	swait.ge [sflag:s4], $0x0  }
0x19: {  	s7 =	sld [smem:$0x3F9F]  }
0x1a: {  	s8 =	sadd.s32 $0xFFFFE003, lr  }
0x1b: {  	s9 =	sadd.s32 $0xFFFFFEF7, lr;
	s5 =	simm.s32 $0xFFFFFFFF;
	p2 =	slt.u32 s8, $0xFFFFF086  }
0x1c: {  	p1 =	slt.u32 s9, $0xF7A;
	s5 =	simm.s32 @!p2 $0x0  }
0x1d: {  	s5 =	simm.s32 @p1 $0x1;
	p0 =	seq.s32 s7, s2  }
0x1e: {  	s7 =	smul.u32 @!p0 $0xF7A, s2;
	p2 =	seq.s32 @!p0 s5, $0x0  }
0x1f: {  	s9 =	smul.u32 $0xF7A, s1;
	s8 =	simm.s32 @!p0 $0x1BF5;
	p2 =	por !p2, p0  }
0x20: {  	[sflag:s8] =	ssyncset.s32 @!p0 $0xFFFFF086;
	s6 =	sadd.s32 @!p0 s3, s7;
	s7 =	simm.s32 @!p0 $0x108  }
0x21: {  	s3 =	sadd.s32 s3, s9;
	s6 =	sadd.s32 @!p0 $0x88, s6;
	s7 =	simm.s32 @p2 $0x1082  }
0x22: {  	[simem:s7], [sflag:s8] =	dma.local @!p0 [hbm:s6], $0xF7A  }
0x23: {  	s9 =	sor.u32 $0xD0000000, s2;
	s6 =	simm.s32 $0x108;
	_ =	swait.ge @!p0 [sflag:s8], $0x0  }
0x24: {  	s3 =	sadd.s32 $0x88, s3;
	s6 =	simm.s32 @!p1 $0x1082;
	[sflag:s4] =	ssyncset.s32 $0xFFFFF086  }
0x25: {  	[simem:s6], [sflag:s4] =	dma.local [hbm:s3], $0xF7A  }
0x26: {  	[smem:$0x3F9F] =	sst s1;
	(tag) =	ssettag s2;
	_ =	strace s9  }
0x27: {  	s1 =	sld [smem:$0x3FAF]  }
0x28: {  	s2 =	sld [smem:$0x3FB0]  }
0x29: {  	s4 =	sld [smem:$0x3FB2]  }
0x2a: {  	p0 =	seq.s32 s5, $0x0;
	s5 =	sld [smem:$0x3FB3]  }
0x2b: {  	s6 =	sld [smem:$0x3FB4]  }
0x2c: {  	s7 =	sld [smem:$0x3FB5]  }
0x2d: {  	s3 =	simm.s32 $0x108;
	s8 =	sld [smem:$0x3FB6]  }
0x2e: {  	s3 =	simm.s32 @!p0 $0x1082;
	s9 =	sld [smem:$0x3FB7]  }
0x2f: {  	lr =	sadd.s32 s0, s3;
	s0 =	sld [smem:$0x3FAE]  }
0x30: {  	s3 =	sld [smem:$0x3FB1]  }
0x31: {  	[smem:$0x3FBA] =	sst s10  }
0x32: {  	s10 =	sld [smem:$0x3FB8];
	_ =	sdelay $0x3  }
0x33: {  	p0 =	seq.s32 s10, $0x1;
	s10 =	sld [smem:$0x3FBA];
	_ =	sdelay $0x3  }
0x34: {  	[smem:$0x3FBA] =	sst s10  }
0x35: {  	s10 =	sld [smem:$0x3FB9];
	_ =	sdelay $0x3  }
0x36: {  	p1 =	seq.s32 s10, $0x1;
	s10 =	sld [smem:$0x3FBA];
	_ =	sdelay $0x3  }
0x37: {  	[smem:$0x3FBA] =	sst s10  }
0x38: {  	s10 =	sld [smem:$0x3FBB]  }
0x39: {  	_ = 	snop;
	(pc) =	sbr.ind lr, $3  }
0x3a: {  	_ = 	snop  }
0x3b: {  	_ = 	snop  }
0x3c: {  	p2 =	seq.s32 s10, $0x1;
	s10 =	sld [smem:$0x3FBA]  }
0x3d: {  	_ =	shalt  }
0x3e: {  	_ =	shalt  }
0x3f: {  	_ =	shalt  }
0x40: {  	_ =	shalt  }
0x41: {  	_ =	shalt  }
0x42: {  	_ =	shalt  }
0x43: {  	_ =	shalt  }
0x44: {  	_ =	shalt  }
0x45: {  	_ =	shalt  }
0x46: {  	_ =	shalt  }
0x47: {  	_ =	shalt  }
0x48: {  	_ =	shalt  }
0x49: {  	_ =	shalt  }
0x4a: {  	_ =	shalt  }
0x4b: {  	_ =	shalt  }
0x4c: {  	_ =	shalt  }
0x4d: {  	_ =	shalt  }
0x4e: {  	_ =	shalt  }
0x4f: {  	_ =	shalt  }
0x50: {  	_ =	shalt  }
0x51: {  	_ =	shalt  }
0x52: {  	_ =	shalt  }
0x53: {  	_ =	shalt  }
0x54: {  	_ =	shalt  }
0x55: {  	_ =	shalt  }
0x56: {  	_ =	shalt  }
0x57: {  	_ =	shalt  }
0x58: {  	_ =	shalt  }
0x59: {  	_ =	shalt  }
0x5a: {  	_ =	shalt  }
0x5b: {  	_ =	shalt  }
0x5c: {  	_ =	shalt  }
0x5d: {  	_ =	shalt  }
0x5e: {  	_ =	shalt  }
0x5f: {  	_ =	shalt  }
0x60: {  	_ =	shalt  }
0x61: {  	_ =	shalt  }
0x62: {  	_ =	shalt  }
0x63: {  	_ =	shalt  }
0x64: {  	_ =	shalt  }
0x65: {  	_ =	shalt  }
0x66: {  	_ =	shalt  }
0x67: {  	_ =	shalt  }
0x68: {  	_ =	shalt  }
0x69: {  	_ =	shalt  }
0x6a: {  	_ =	shalt  }
0x6b: {  	_ =	shalt  }
0x6c: {  	_ =	shalt  }
0x6d: {  	_ =	shalt  }
0x6e: {  	_ =	shalt  }
0x6f: {  	_ =	shalt  }
0x70: {  	_ =	shalt  }
0x71: {  	_ =	shalt  }
0x72: {  	_ =	shalt  }
0x73: {  	_ =	shalt  }
0x74: {  	_ =	shalt  }
0x75: {  	_ =	shalt  }
0x76: {  	_ =	shalt  }
0x77: {  	_ =	shalt  }
0x78: {  	_ =	shalt  }
0x79: {  	_ =	shalt  }
0x7a: {  	_ =	shalt  }
0x7b: {  	_ =	shalt  }
0x7c: {  	_ =	shalt  }
0x7d: {  	_ =	shalt  }
0x7e: {  	_ =	shalt  }
0x7f: {  	_ =	shalt  }
0x80: {  	_ =	shalt  }
0x81: {  	_ =	shalt  }
0x82: {  	_ =	shalt  }
0x83: {  	_ =	shalt  }
0x84: {  	_ =	shalt  }
0x85: {  	_ =	shalt  }
0x86: {  	_ =	shalt  }
0x87: {  	_ =	shalt  }
.Lfunc_end0:
.L_simem_size_0:
called_computation_lowered:
.L_overlay_start_0:
0x88: {  	s2 =	sld [smem:$0x3FD9]  }
0x89: {  	s3 =	sld [smem:$0x3FFE];
	_ =	sdelay $0x1  }
0x8a: {  	s1 =	srdreg.scid  }
0x8b: {  	s0 =	sand.u32 $0x1, s1  }
0x8c: {  	s16 =	sshll.u32 s0, $0xA;
	s2 =	sadd.s32 s3, s2  }
0x8d: {  	s2 =	sadd.s32 s2, s16  }
0x8e: {  	[smem:$0x3FC6] =	sst s2  }
0x8f: {  	_ = 	snop  }
0x90: {  	(tm) =	ssettm $0x1  }
0x91: {  	s17 =	sld [smem:$0x3FFB];
	_ =	sdelay $0x3  }
0x92: {  	_ =	strace s17  }
0x93: {  	s2 =	sld [smem:$0x3FFC];
	_ =	sdelay $0x3  }
0x94: {  	_ =	strace s2  }
0x95: {  	s2 =	sld [smem:$0x3FFD];
	_ =	sdelay $0x3  }
0x96: {  	_ =	strace s2  }
0x97: {  	_ =	strace $0x8FFFFFFF  }
0x98: {  	s18 =	sld [smem:$0x3FDB];
	_ =	sdelay $0x1  }
0x99: {  	s19 =	simm.s32 $_scs_section_size  }
0x9a: {  	s4 =	simm.s32 $_size__tile_overlayer_lowered;
	s5 =	simm.s32 $_tile_overlayer_lowered  }
0x9b: {  	s22 =	simm.s32 $0x1BFF;
	s21 =	sshll.u32 s5, $0x1;
	s2 =	sadd.s32 s19, s18  }
0x9c: {  	s6 =	simm.s32 $0x0;
	s20 =	sshll.u32 s4, $0x1;
	s4 =	sadd.s32 s21, s2  }
0x9d: {  	[timem:s6], [sflag:s22] =	dma.local [hbm:s4], s20  }
0x9e: {  	_ =	swait.ge [sflag:s22], s20  }
0x9f: {  	s3 =	ssub.s32 $0x0, s20;
	[sflag:s22] =	ssyncset.done $0x0  }
0xa0: {  	[sflag:s22] =	ssyncadd.s32 s3;
	_ =	sdelay $0x1  }
0xa1: {  	s23 =	simm.s32 $0x1B8B  }
0xa2: {  	_ =	swait.ge [sflag:s23], $0x1  }
0xa3: {  	[sflag:s23] =	ssyncset.done $0x0  }
0xa4: {  	s25 =	simm.s32 $0x1B8E;
	s24 =	sld [smem:$0x3FFE];
	[sflag:s23] =	ssyncadd.s32 $0xFFFFFFFF  }
0xa5: {  	s26 =	simm.s32 $execute0_lowered;
	[smem:$0x3FD2] =	sst s25  }
0xa6: {  	s4 =	sshll.u32 s26, $0x1;
	_ =	strace $0x80000046;
	[dreg:$0x1] =	wrdreg $0xFFFFFFFF  }
0xa7: {  	s28 =	simm.s32 $_size_execute0_lowered;
	s2 =	sadd.s32 s2, s4;
	[dreg:$0x0] =	wrdreg $0x0  }
0xa8: {  	s4 =	sshll.u32 s28, $0x1;
	[dreg:$0x2] =	wrdreg s2  }
0xa9: {  	[dreg:$0x3] =	wrdreg s4  }
0xaa: {  	[dreg:$0x4] =	wrdreg $0xC0  }
0xab: {  	_ =	task [dreg:s6], $0x5FFFF  }
0xac: {  	[dreg:$0x1] =	wrdreg $0xFFFFFFFF  }
0xad: {  	[dreg:$0x0] =	wrdreg $0x60  }
0xae: {  	[dreg:$0x2] =	wrdreg s24  }
0xaf: {  	[dreg:$0x3] =	wrdreg $0x9  }
0xb0: {  	_ =	task.clear_ibuf [dreg:s6], $0x4FFFF;
	_ =	strace $0x90000046  }
0xb1: {  	s29 =	simm.s32 $0x9;
	_ =	strace $0x80000048  }
0xb2: {  	_ =	swait.ge [sflag:s29], $0x1  }
0xb3: {  	[sflag:s29] =	ssyncadd.s32 $0xFFFFFFFF  }
0xb4: {  	_ =	strace $0x90000048  }
0xb5: {  	_ =	sfence  }
0xb6: {  	s30 =	sld [smem:$0x0];
	_ =	sdelay $0x2  }
0xb7: {  	s31 =	sshll.u32 s1, $0xD;
	s1 =	sshrl.u32 s1, $0x2  }
0xb8: {  	s3 =	sand.u32 $0x4000, s31;
	s1 =	sadd.s32 s1, s30  }
0xb9: {  	s0 =	sor.u32 s3, s0;
	s1 =	sshll.u32 s1, $0x11  }
0xba: {  	s0 =	sor.u32 s1, s0  }
0xbb: {  	s0 =	sadd.s32 $0x8F2B, s0  }
0xbc: {  	[sflag:s0] =	ssyncadd.remote.s32 $0x1  }
0xbd: {  	_ =	sfence.sel $0xFFFF  }
0xbe: {  	[dreg:$0x0] =	wrdreg $0xFFFFFFFF;
	(pc) =	sbr.abs _section_cstart, $3  }
0xbf: {  	[dreg:$0x1] =	wrdreg $0xFFFFFFFF  }
0xc0: {  	_ =	task.clear_ibuf [dreg:s6], $0x2FFFF;
	_ =	strace $0x9FFFFFFF  }
0xc1: {  	(tm) =	ssettm $0x7FFFFFFF  }
tec
execute0_lowered:
.L_overlay_start_1:
0x0: {  	(tag) =	ssettag $0x1  }
0x1: {  	s3 =	rddreg [dreg:$0x0]  }
0x2: {  	s1 =	srdreg.scid;
	s0 =	rddreg [dreg:$0x1]  }
0x3: {  	s2 =	simm.s32 $0x0;
	s8 =	simm.s32 $0x12000;
	s9 =	simm.s32 $0x1  }
0x4: {  	s10 =	simm.s32 $0x2;
	s11 =	simm.s32 $0x3;
	s4 =	sand.u32 $0x1, s1  }
0x5: {  	s12 =	simm.s32 $0x0;
	s1 =	stileid.u32;
	s5 =	sshll.u32 s4, $0x4  }
0x6: {  	[smem:$0x7FF] =	sst s2;
	s4 =	ssub.s32 $0x2, s4;
	s5 =	sor.u32 s1, s5  }
0x7: {  	_ =	strace $0x80000047;
	s7 =	sshrl.u32 s4, $0x1;
	s6 =	sshll.u32 s5, $0xB  }
0x8: {  	s5 =	sshll.u32 s5, $0xD;
	s7 =	ssub.s32 s4, s7;
	s6 =	sadd.s32 s6, s3  }
0x9: {  	s5 =	sadd.s32 s5, s3;
	s3 =	sadd.s32 $0xE00, s6;
	s4 =	sadd.s32 $0x1200, s6  }
0xa: {  	v0 =	vimm.f32 $0.0e+00;
	v1 =	vimm.f32 $1.000000000e+00;
	s5 =	sadd.s32 $0x10E00, s5;
	s6 =	smax.u32 s7, $0x1;
	s7 =	simm.s32 $0x10000  }
.LBB2_1:
0xb: {  	[tilespmem:s7], [sflag:$0x1] =	stream.linear.gather [hbm4b:s3+s2], $0x2000, $0x38;
	[tilespmem:$0x14000] =	vst v63  }
0xc: {  	s13 =	simm.s32 $0x0;
	s14 =	simm.s32 $0x200  }
0xd: {  	[tilespmem:s8], [sflag:$0x2] =	stream.linear.gather [hbm4b:s4+s2], $0x2000, $0x38;
	[tilespmem:$0x14000] =	vst v63  }
.LBB2_2:
0xe: {  	p0 =	sne.s32 s14, $0x3FE00;
	[tilespmem:s13+$0x70] =	vst v0  }
0xf: {  	[tilespmem:s13+$0x0] =	vst v0  }
0x10: {  	[tilespmem:s13+$0x10] =	vst v0  }
.Ltmp0:
0x11: {  	[tilespmem:s13+$0x20] =	vst v0;
	(pc) =	sbr.rel @p0 .LBB2_2-.Ltmp0, $4  }
0x12: {  	[tilespmem:s13+$0x30] =	vst v0  }
0x13: {  	[tilespmem:s13+$0x40] =	vst v0  }
0x14: {  	[tilespmem:s13+$0x50] =	vst v0  }
0x15: {  	[tilespmem:s13+$0x60] =	vst v0;
	s13 =	sshra.s32 s14, $0x2;
	s14 =	sadd.s32 $0x200, s14  }
0x16: {  	[tilespmem:s13+$0x70] =	vst v0  }
0x17: {  	[tilespmem:s13+$0x0] =	vst v0  }
0x18: {  	[tilespmem:s13+$0x10] =	vst v0  }
0x19: {  	[tilespmem:s13+$0x20] =	vst v0  }
0x1a: {  	[tilespmem:s13+$0x30] =	vst v0  }
0x1b: {  	[tilespmem:s13+$0x40] =	vst v0  }
0x1c: {  	[tilespmem:s13+$0x50] =	vst v0  }
0x1d: {  	[tilespmem:s13+$0x60] =	vst v0  }
0x1e: {  	_ =	swait.ge [sflag:s9], $0x2000  }
0x1f: {  	[sflag:s9] =	ssyncset.done $0x0  }
0x20: {  	[sflag:s9] =	ssyncadd.s32 $0xFFFFE000  }
0x21: {  	_ =	swait.ge [sflag:s10], $0x2000  }
0x22: {  	[sflag:s10] =	ssyncset.done $0x0  }
0x23: {  	s13 =	simm.s32 $0x0;
	[sflag:s10] =	ssyncadd.s32 $0xFFFFE000  }
.LBB2_4:
0x24: {  	s14 =	sshra.s32 s13, $0x2  }
0x25: {  	v2 =	vld [tilespmem:s14+$0x10000];
	_ =	sdelay $0x4  }
0x26: {  	v3 =	vand.u32 $0xFFFF, v2  }
0x27: {  	v2 =	vshrl.u32 v2, $0x10;
	_ =	sdelay $0x3  }
0x28: {  	[tilespmem:v3+s2+$0x0] =	vst.idx.add.f32.msk $0xffff, v1  }
0x29: {  	[tilespmem:v2+s2+$0x0] =	vst.idx.add.f32.msk $0xffff, v1  }
0x2a: {  	v2 =	vld [tilespmem:s14+$0x10010];
	_ =	sdelay $0x4  }
0x2b: {  	v3 =	vand.u32 $0xFFFF, v2  }
0x2c: {  	v2 =	vshrl.u32 v2, $0x10;
	_ =	sdelay $0x3  }
0x2d: {  	[tilespmem:v3+s2+$0x0] =	vst.idx.add.f32.msk $0xffff, v1  }
0x2e: {  	[tilespmem:v2+s2+$0x0] =	vst.idx.add.f32.msk $0xffff, v1  }
0x2f: {  	v2 =	vld [tilespmem:s14+$0x10020];
	_ =	sdelay $0x4  }
0x30: {  	v3 =	vand.u32 $0xFFFF, v2  }
0x31: {  	v2 =	vshrl.u32 v2, $0x10;
	_ =	sdelay $0x3  }
0x32: {  	[tilespmem:v3+s2+$0x0] =	vst.idx.add.f32.msk $0xffff, v1  }
0x33: {  	[tilespmem:v2+s2+$0x0] =	vst.idx.add.f32.msk $0xffff, v1  }
0x34: {  	v2 =	vld [tilespmem:s14+$0x10030];
	_ =	sdelay $0x4  }
0x35: {  	v3 =	vand.u32 $0xFFFF, v2  }
0x36: {  	p0 =	sne.s32 s13, $0xFF00;
	v2 =	vshrl.u32 v2, $0x10  }
.Ltmp1:
0x37: {  	_ = 	snop;
	(pc) =	sbr.rel @p0 .LBB2_4-.Ltmp1, $3  }
0x38: {  	_ =	sdelay $0x1  }
0x39: {  	[tilespmem:v3+s2+$0x0] =	vst.idx.add.f32.msk $0xffff, v1  }
0x3a: {  	s13 =	sadd.s32 $0x100, s13;
	[tilespmem:v2+s2+$0x0] =	vst.idx.add.f32.msk $0xffff, v1  }
0x3b: {  	s12 =	sadd.s32 $0x1, s12  }
0x3c: {  	p0 =	sne.s32 s12, s6  }
.Ltmp2:
0x3d: {  	_ = 	snop;
	(pc) =	sbr.rel @p0 .LBB2_1-.Ltmp2, $4  }
0x3e: {  	[hbm4b:s5+s2] =	stream.linear.scatter [tilespmem:s2], [sflag:$0x3], $0x10000, $0x38;
	[tilespmem:$0x14000] =	vst v63  }
0x3f: {  	_ =	swait.ge [sflag:s11], $0x10000  }
0x40: {  	[sflag:s11] =	ssyncset.done $0x0  }
0x41: {  	[sflag:s11] =	ssyncadd.s32 $0xFFFF0000  }
0x42: {  	_ =	sfence.sel $0x180000  }
0x43: {  	[bflag:$0x0] =	sbarrier.arrive $0xFFFF  }
0x44: {  	p0 =	sne.s32 s1, $0x0;
	_ =	strace $0x90000047  }
0x45: {  	s0 =	sadd.s32 @!p0 $0x100000, s0;
	[bflag:$0x2] =	sbarrier.arrive $0xFFFF  }
0x46: {  	[sflag:s0] =	ssyncadd.tile.s32 @!p0 $0x1;
	_ =	shalt  }
.Lfunc_end2:
_tile_overlayer_lowered:
.L_overlay_start_2:
0x47: {  	(tag) =	ssettag $0x2  }
0x48: {  	s0 =	rddreg [dreg:$0x0];
	s2 =	stileid.u32  }
0x49: {  	s1 =	rddreg [dreg:$0x1];
	p0 =	sne.s32 s2, $0x0  }
0x4a: {  	s3 =	rddreg [dreg:$0x2];
	[bflag:$0x3] =	sbarrier.arrive $0xFFFF;
	s2 =	simm.s32 @!p0 $0x1C03  }
0x4b: {  	[timem:s3], [sflag:s2] =	dma.local @!p0 [hbm:s0], s1  }
0x4c: {  	s0 =	simm.s32 @!p0 $0x3  }
0x4d: {  	_ =	swait.ge @!p0 [sflag:s0], s1  }
0x4e: {  	s1 =	ssub.s32 @!p0 $0x0, s1;
	[sflag:s0] =	ssyncset.done @!p0 $0x0  }
0x4f: {  	[sflag:s0] =	ssyncadd.s32 @!p0 s1  }
0x50: {  	[bflag:$0x3] =	sbarrier.arrive $0xFFFF  }
0x51: {  	_ =	shalt  }

</sc_bundles>
